<compile_context>
chip_gen: v7x
topology: tpu7x:2x2x1
jax: 0.10.2.dev20260603
libtpu: 0.0.44.dev20260713+nightly
codegen_flags: <defaults>
</compile_context>

<pallas_src>
import dataclasses

import numpy as np
import jax
import jax.numpy as jnp
from jax import lax
from jax.experimental import pallas as pl
from jax.experimental.pallas import tpu as pltpu
from jax.experimental.pallas import tpu_sc as plsc

N = 10000
E = 160000
D_IN = 256
H = 512
BN_SCALE = np.float32(1.0 / np.sqrt(1.0 + 1e-5))

NC = 2
NS = 16
HC = 128
NCHUNK = H // HC
NP = 10240
EB = 80
E_PT = E // NS
ITERS = E_PT // EB
IPAD = 128
ZB = 80
ROWS_PT = NP // NS
DEG_PT = E // (NC * NS)
DEG_FULL = DEG_PT // 16

ROW_BLK = 2000
GRID = N // ROW_BLK

_MESH = plsc.VectorSubcoreMesh(core_axis_name="c", subcore_axis_name="s")

_SC_PARAMS = pltpu.CompilerParams()
if "needs_layout_passes" in pltpu.CompilerParams.__dataclass_fields__:
    _SC_PARAMS = dataclasses.replace(_SC_PARAMS, needs_layout_passes=False)
if "use_tc_tiling_on_sc" in pltpu.CompilerParams.__dataclass_fields__:
    _SC_PARAMS = dataclasses.replace(_SC_PARAMS, use_tc_tiling_on_sc=False)



def _deg_body(col_ref, out_ref, colbuf, partial, sem):
    del sem
    c = lax.axis_index("c")
    s = lax.axis_index("s")
    w = s * NC + c

    zeros16 = jnp.zeros((16,), jnp.float32)

    @pl.loop(0, N // 16)
    def _(i):
        partial[pl.ds(i * 16, 16)] = zeros16

    colbuf[pl.ds(DEG_FULL * 16, 16)] = jnp.zeros((16,), jnp.int32)
    pltpu.sync_copy(col_ref.at[w, 0], colbuf.at[pl.ds(0, DEG_PT)])

    ones16 = jnp.ones((16,), jnp.float32)

    @pl.loop(0, DEG_FULL)
    def _(i):
        idx = colbuf[pl.ds(i * 16, 16)]
        plsc.addupdate_scatter(partial, [idx], ones16)

    idx = colbuf[pl.ds(DEG_FULL * 16, 16)]
    mask = lax.iota(jnp.int32, 16) < (DEG_PT - DEG_FULL * 16)
    plsc.addupdate_scatter(partial, [idx], ones16, mask=mask)

    pltpu.sync_copy(partial, out_ref.at[w, 0])


@jax.jit
def _deg_call(col3d):
    k = pl.kernel(
        _deg_body,
        out_type=jax.ShapeDtypeStruct((NC * NS, 1, N), jnp.float32),
        mesh=_MESH,
        compiler_params=_SC_PARAMS,
        scratch_types=[
            pltpu.VMEM((DEG_FULL * 16 + 16,), jnp.int32),
            pltpu.VMEM((N,), jnp.float32),
            pltpu.SemaphoreType.DMA,
        ],
    )
    return k(col3d)


def _scatter_body(g_ref, row_ref, col_ref, out_ref, acc,
                  rows_a, rows_b, ridx, cidx, sem_a, sem_b):
    c = lax.axis_index("c")
    s = lax.axis_index("s")

    pltpu.sync_copy(row_ref.at[s], ridx)
    pltpu.sync_copy(col_ref.at[s], cidx)

    zeros16 = jnp.zeros((16,), jnp.float32)

    for jj in range(NCHUNK // NC):
        j = c * (NCHUNK // NC) + jj
        gj = g_ref.at[j]

        @pl.loop(0, ZB)
        def _(r):
            @pl.loop(0, HC // 16)
            def _(k):
                rows_b[r, pl.ds(k * 16, 16)] = zeros16

        @pl.loop(0, ROWS_PT // ZB)
        def _(q):
            base = s * ROWS_PT + q * ZB
            pltpu.sync_copy(rows_b.at[pl.ds(0, ZB)], acc.at[pl.ds(base, ZB)])

        plsc.subcore_barrier()

        pltpu.async_copy(gj.at[ridx.at[0]], rows_a, sem_a)

        @pl.loop(0, (ITERS - 1) // 2)
        def _(h):
            it = h * 2
            cp_b = pltpu.async_copy(gj.at[ridx.at[it + 1]], rows_b, sem_b)
            pltpu.make_async_copy(gj.at[ridx.at[it]], rows_a, sem_a).wait()
            pltpu.sync_copy(rows_a, acc.at[cidx.at[it]], add=True)
            pltpu.async_copy(gj.at[ridx.at[it + 2]], rows_a, sem_a)
            cp_b.wait()
            pltpu.sync_copy(rows_b, acc.at[cidx.at[it + 1]], add=True)

        pltpu.make_async_copy(gj.at[ridx.at[ITERS - 1]], rows_a, sem_a).wait()
        pltpu.sync_copy(rows_a, acc.at[cidx.at[ITERS - 1]], add=True)
        plsc.subcore_barrier()

        @pl.loop(0, ROWS_PT // ZB)
        def _(q):
            base = s * ROWS_PT + q * ZB
            pltpu.sync_copy(acc.at[pl.ds(base, ZB)], rows_a.at[pl.ds(0, ZB)])
            pltpu.sync_copy(rows_a.at[pl.ds(0, ZB)],
                            out_ref.at[j, pl.ds(base, ZB)])


@jax.jit
def _scatter_call(g4, row3, col3):
    k = pl.kernel(
        _scatter_body,
        out_type=jax.ShapeDtypeStruct((NCHUNK, NP, HC), jnp.float32),
        mesh=_MESH,
        compiler_params=_SC_PARAMS,
        scratch_types=[
            pltpu.VMEM_SHARED((NP, HC), jnp.float32),
            pltpu.VMEM((EB, HC), jnp.float32),
            pltpu.VMEM((EB, HC), jnp.float32),
            pltpu.VMEM((IPAD, EB), jnp.int32),
            pltpu.VMEM((IPAD, EB), jnp.int32),
            pltpu.SemaphoreType.DMA,
            pltpu.SemaphoreType.DMA,
        ],
    )
    return k(g4, row3, col3)



def _dis_body(degp_ref, dis_ref):
    deg = jnp.sum(degp_ref[...], axis=0) + 1.0
    dis_ref[...] = lax.rsqrt(deg)[:, None]


@jax.jit
def _dis_call(degp):
    return pl.pallas_call(
        _dis_body,
        out_shape=jax.ShapeDtypeStruct((N, 1), jnp.float32),
    )(degp)


def _enc_body(x_ref, ew_ref, eb_ref, bg_ref, bb_ref, w1_ref, dis_ref,
              g_ref):
    h = jnp.dot(x_ref[...], ew_ref[...],
                preferred_element_type=jnp.float32,
                precision=lax.Precision.DEFAULT)
    h = jnp.maximum(h + eb_ref[...], 0.0)
    h = h * (bg_ref[...] * BN_SCALE) + bb_ref[...]
    hw = jnp.dot(h, w1_ref[...],
                 preferred_element_type=jnp.float32,
                 precision=lax.Precision.DEFAULT)
    g = hw * dis_ref[...]
    for j in range(NCHUNK):
        g_ref[j] = g[:, j * HC:(j + 1) * HC]


@jax.jit
def _enc_call(x, enc_W, enc_b, bn_gamma, bn_beta, W1, dis):
    full = lambda shape: pl.BlockSpec(shape, lambda i: (0,) * len(shape))
    return pl.pallas_call(
        _enc_body,
        grid=(GRID,),
        in_specs=[
            pl.BlockSpec((ROW_BLK, D_IN), lambda i: (i, 0)),
            full((D_IN, H)),
            full((1, H)),
            full((1, H)),
            full((1, H)),
            full((H, H)),
            pl.BlockSpec((ROW_BLK, 1), lambda i: (i, 0)),
        ],
        out_specs=pl.BlockSpec((NCHUNK, ROW_BLK, HC), lambda i: (0, i, 0)),
        out_shape=jax.ShapeDtypeStruct((NCHUNK, NP, HC), jnp.float32),
    )(x, enc_W, enc_b.reshape(1, H), bn_gamma.reshape(1, H),
      bn_beta.reshape(1, H), W1, dis)


def _mid_body(s_ref, gin_ref, dis_ref, b1_ref, w2_ref, g_ref):
    scat = jnp.concatenate(
        [s_ref[j] + gin_ref[j] for j in range(NCHUNK)], axis=-1)
    h = jnp.maximum(scat * dis_ref[...] + b1_ref[...], 0.0)
    hw = jnp.dot(h, w2_ref[...],
                 preferred_element_type=jnp.float32,
                 precision=lax.Precision.DEFAULT)
    g = hw * dis_ref[...]
    for j in range(NCHUNK):
        g_ref[j] = g[:, j * HC:(j + 1) * HC]


@jax.jit
def _mid_call(s4, g4, dis, b1, W2):
    return pl.pallas_call(
        _mid_body,
        grid=(GRID,),
        in_specs=[
            pl.BlockSpec((NCHUNK, ROW_BLK, HC), lambda i: (0, i, 0)),
            pl.BlockSpec((NCHUNK, ROW_BLK, HC), lambda i: (0, i, 0)),
            pl.BlockSpec((ROW_BLK, 1), lambda i: (i, 0)),
            pl.BlockSpec((1, H), lambda i: (0, 0)),
            pl.BlockSpec((H, H), lambda i: (0, 0)),
        ],
        out_specs=pl.BlockSpec((NCHUNK, ROW_BLK, HC), lambda i: (0, i, 0)),
        out_shape=jax.ShapeDtypeStruct((NCHUNK, NP, HC), jnp.float32),
    )(s4, g4, dis, b1.reshape(1, H), W2)


def _fin_body(s_ref, gin_ref, dis_ref, b2_ref, out_ref):
    scat = jnp.concatenate(
        [s_ref[j] + gin_ref[j] for j in range(NCHUNK)], axis=-1)
    out_ref[...] = scat * dis_ref[...] + b2_ref[...]


@jax.jit
def _fin_call(s4, g4, dis, b2):
    return pl.pallas_call(
        _fin_body,
        grid=(GRID,),
        in_specs=[
            pl.BlockSpec((NCHUNK, ROW_BLK, HC), lambda i: (0, i, 0)),
            pl.BlockSpec((NCHUNK, ROW_BLK, HC), lambda i: (0, i, 0)),
            pl.BlockSpec((ROW_BLK, 1), lambda i: (i, 0)),
            pl.BlockSpec((1, H), lambda i: (0, 0)),
        ],
        out_specs=pl.BlockSpec((ROW_BLK, H), lambda i: (i, 0)),
        out_shape=jax.ShapeDtypeStruct((N, H), jnp.float32),
    )(s4, g4, dis, b2.reshape(1, H))



def kernel(x, edge_index, enc_W, enc_b, bn_gamma, bn_beta, W1, b1, W2, b2):
    ei = edge_index.astype(jnp.int32)
    col3d = ei[1].reshape(NC * NS, 1, DEG_PT)
    pad = ((0, 0), (0, IPAD - ITERS), (0, 0))
    row3 = jnp.pad(ei[0].reshape(NS, ITERS, EB), pad)
    col3 = jnp.pad(ei[1].reshape(NS, ITERS, EB), pad)
    degp = _deg_call(col3d)
    dis = _dis_call(degp.reshape(NC * NS, N))
    g1 = _enc_call(x, enc_W, enc_b, bn_gamma, bn_beta, W1, dis)
    s1 = _scatter_call(g1, row3, col3)
    g2 = _mid_call(s1, g1, dis, b1, W2)
    s2 = _scatter_call(g2, row3, col3)
    return _fin_call(s2, g2, dis, b2)

# --- scband reference (transcript-rebuilt; emitter-appended) ---
"""Pipeline reference for scband-efficient-max-patch-gnn-6588479832610 (READ-ONLY COPY).

The authoritative reference and input builder live on the scoring server;
editing this copy changes nothing except your own understanding.
"""

import jax, jax.numpy as jnp
import numpy as np

N = 10000
E = 160000
D_IN = 256
H = 512
BN_EPS = 1e-5


def _add_self_loops(edge_index):
    loop = jnp.arange(N, dtype=edge_index.dtype)
    return jnp.concatenate([edge_index, jnp.stack([loop, loop], axis=0)], axis=1)


def _gcn_conv(h, ei, W, b):
    # PyG GCNConv: x' = D^{-1/2} (A+I) D^{-1/2} X W + b
    row, col = ei[0], ei[1]
    hw = h @ W
    deg = jnp.zeros((N,), dtype=h.dtype).at[col].add(1.0)
    dis = jnp.where(deg > 0, deg ** -0.5, 0.0)
    norm = dis[row] * dis[col]
    msg = hw[row] * norm[:, None]
    out = jnp.zeros((N, hw.shape[1]), dtype=h.dtype).at[col].add(msg)
    return out + b


def setup_inputs(seed: int = 0) -> dict:
    key = jax.random.key(seed)
    ks = jax.random.split(key, 10)
    x = jax.random.normal(ks[0], (N, D_IN), dtype=jnp.float32)
    edge_index = jax.random.randint(ks[1], (2, E), 0, N, dtype=jnp.int32)
    enc_W = jax.random.normal(ks[2], (D_IN, H), dtype=jnp.float32) * 0.05
    enc_b = jax.random.normal(ks[3], (H,), dtype=jnp.float32) * 0.05
    bn_gamma = jnp.ones((H,), dtype=jnp.float32)
    bn_beta = jnp.zeros((H,), dtype=jnp.float32)
    W1 = jax.random.normal(ks[4], (H, H), dtype=jnp.float32) * 0.05
    b1 = jax.random.normal(ks[5], (H,), dtype=jnp.float32) * 0.05
    W2 = jax.random.normal(ks[6], (H, H), dtype=jnp.float32) * 0.05
    b2 = jax.random.normal(ks[7], (H,), dtype=jnp.float32) * 0.05
    return {"x": x, "edge_index": edge_index, "enc_W": enc_W, "enc_b": enc_b,
            "bn_gamma": bn_gamma, "bn_beta": bn_beta,
            "W1": W1, "b1": b1, "W2": W2, "b2": b2}


def reference(x, edge_index, enc_W, enc_b, bn_gamma, bn_beta, W1, b1, W2, b2):
    # task='link' -> forward returns encode(x, edge_index)
    ei = _add_self_loops(edge_index)
    # node_encoder: Linear -> ReLU -> Dropout(eval: identity) -> BatchNorm1d(eval, running stats 0/1)
    h = x @ enc_W + enc_b
    h = jax.nn.relu(h)
    h = bn_gamma * (h / jnp.sqrt(1.0 + BN_EPS)) + bn_beta
    # conv1 -> relu -> (dropout eval: identity) -> conv2
    h = _gcn_conv(h, ei, W1, b1)
    h = jax.nn.relu(h)
    h = _gcn_conv(h, ei, W2, b2)
    return h

if __name__ == "__main__":
    import jax
    _d = setup_inputs()
    print(jax.jit(kernel)(*tuple(_d.values())))

</pallas_src>

<mosaic_0001>
#map = affine_map<(d0, d1) -> (0, 0, 0)>
module attributes {stable_mosaic.version = 14 : i64} {
  func.func @_deg_body(%arg0: i32, %arg1: i32, %arg2: memref<32x1x5000xi32, #tpu.memory_space<hbm>>, %arg3: memref<32x1x10000xf32, #tpu.memory_space<hbm>>, %arg4: memref<5008xi32, #tpu.memory_space<vmem>>, %arg5: memref<10000xf32, #tpu.memory_space<vmem>>, %arg6: memref<!tpu.dma_semaphore, #tpu.memory_space<semaphore_mem>>) attributes {dimension_semantics = [#tpu.dimension_semantics<core_parallel>, #tpu.dimension_semantics<subcore_parallel>], iteration_bounds = array<i64: 2, 16>, scalar_prefetch = 0 : i64, scratch_operands = 3 : i64, tpu.core_type = #tpu.core_type<sc_vector_subcore>, window_params = [{transform_indices = #map}, {transform_indices = #map}]} {
    %mul3A = arith.constant 2 : i32
    %mul3A_0 = arith.muli %arg1, %mul3A : i32
    %add3A = arith.addi %mul3A_0, %arg0 : i32
    %broadcast_in_dim3A = arith.constant 0.000000e+00 : f32
    %broadcast_in_dim3A_1 = vector.broadcast %broadcast_in_dim3A : f32 to vector<16xf32>
    %scan3A = arith.constant 0 : i32
    %scan3A_2 = arith.constant 625 : i32
    %scan3A_3 = arith.addi %scan3A, %scan3A_2 : i32
    %scan3A_4 = arith.constant 1 : i32
    scf.for %scan3A_20 = %scan3A to %scan3A_3 step %scan3A_4  : i32 {
      %mul3A_21 = arith.constant 1 : i32
      %mul3A_22 = arith.muli %scan3A_20, %mul3A_21 : i32
      %add3A_23 = arith.constant 0 : i32
      %add3A_24 = arith.addi %add3A_23, %mul3A_22 : i32
      %mul3A_25 = arith.constant 16 : i32
      %mul3A_26 = arith.muli %add3A_24, %mul3A_25 : i32
      %swap3A_27 = arith.index_cast %mul3A_26 : i32 to index
      %swap3A_28 = tpu.vector_load %arg5[%swap3A_27] {strides = array<i32>} : memref<10000xf32, #tpu.memory_space<vmem>>, vector<16xf32>,
      tpu.vector_store %arg5[%swap3A_27], %broadcast_in_dim3A_1 {strides = array<i32>} : memref<10000xf32, #tpu.memory_space<vmem>>, vector<16xf32>,
    }
    %scan3A_5 = arith.constant 625 : i32
    %broadcast_in_dim3A_6 = arith.constant 0 : i32
    %broadcast_in_dim3A_7 = vector.broadcast %broadcast_in_dim3A_6 : i32 to vector<16xi32>
    %swap3A = arith.constant 4992 : index
    %swap3A_8 = tpu.vector_load %arg4[%swap3A] {strides = array<i32>} : memref<5008xi32, #tpu.memory_space<vmem>>, vector<16xi32>,
    tpu.vector_store %arg4[%swap3A], %broadcast_in_dim3A_7 {strides = array<i32>} : memref<5008xi32, #tpu.memory_space<vmem>>, vector<16xi32>,
    %run_scoped3A = arith.constant 0 : i32
    "tpu.region"() ({
      %run_scoped3A_20 = tpu.sem_alloc : memref<!tpu.dma_semaphore, #tpu.memory_space<semaphore_mem>>
      %dma_start3A = arith.constant 0 : i32
      %dma_start3A_21 = tpu.memref_slice %arg4[%dma_start3A] : memref<5008xi32, #tpu.memory_space<vmem>> -> memref<5000xi32, #tpu.memory_space<vmem>>
      %dma_start3A_22 = arith.constant 0 : i32
      %dma_start3A_23 = tpu.memref_slice %arg2[%add3A, %run_scoped3A, %dma_start3A_22] : memref<32x1x5000xi32, #tpu.memory_space<hbm>> -> memref<1x1x5000xi32, #tpu.memory_space<hbm>>
      %dma_start3A_24 = tpu.memref_squeeze %dma_start3A_23 : memref<1x1x5000xi32, #tpu.memory_space<hbm>> -> memref<5000xi32, #tpu.memory_space<hbm>>
      %dma_start3A_25 = arith.constant 0 : i32
      %dma_start3A_26 = tpu.memref_slice %arg4[%dma_start3A_25] : memref<5008xi32, #tpu.memory_space<vmem>> -> memref<5000xi32, #tpu.memory_space<vmem>>
      %dma_start3A_27 = arith.constant 0 : i32
      %dma_start3A_28 = tpu.memref_slice %arg2[%add3A, %run_scoped3A, %dma_start3A_27] : memref<32x1x5000xi32, #tpu.memory_space<hbm>> -> memref<1x1x5000xi32, #tpu.memory_space<hbm>>
      %dma_start3A_29 = tpu.memref_squeeze %dma_start3A_28 : memref<1x1x5000xi32, #tpu.memory_space<hbm>> -> memref<5000xi32, #tpu.memory_space<hbm>>
      tpu.enqueue_dma source(%dma_start3A_29 : memref<5000xi32, #tpu.memory_space<hbm>>) target(%dma_start3A_26 : memref<5000xi32, #tpu.memory_space<vmem>>) target_semaphore(%run_scoped3A_20 : memref<!tpu.dma_semaphore, #tpu.memory_space<semaphore_mem>>)
      %dma_wait3A = arith.constant 0 : i32
      %dma_wait3A_30 = tpu.memref_slice %arg4[%dma_wait3A] : memref<5008xi32, #tpu.memory_space<vmem>> -> memref<5000xi32, #tpu.memory_space<vmem>>
      %dma_wait3A_31 = arith.constant 0 : i32
      %dma_wait3A_32 = tpu.memref_slice %arg2[%add3A, %run_scoped3A, %dma_wait3A_31] : memref<32x1x5000xi32, #tpu.memory_space<hbm>> -> memref<1x1x5000xi32, #tpu.memory_space<hbm>>
      %dma_wait3A_33 = tpu.memref_squeeze %dma_wait3A_32 : memref<1x1x5000xi32, #tpu.memory_space<hbm>> -> memref<5000xi32, #tpu.memory_space<hbm>>
      %dma_wait3A_34 = arith.constant 0 : i32
      %dma_wait3A_35 = tpu.memref_slice %arg4[%dma_wait3A_34] : memref<5008xi32, #tpu.memory_space<vmem>> -> memref<5000xi32, #tpu.memory_space<vmem>>
      %dma_wait3A_36 = arith.constant 0 : i32
      %dma_wait3A_37 = tpu.memref_slice %arg2[%add3A, %run_scoped3A, %dma_wait3A_36] : memref<32x1x5000xi32, #tpu.memory_space<hbm>> -> memref<1x1x5000xi32, #tpu.memory_space<hbm>>
      %dma_wait3A_38 = tpu.memref_squeeze %dma_wait3A_37 : memref<1x1x5000xi32, #tpu.memory_space<hbm>> -> memref<5000xi32, #tpu.memory_space<hbm>>
      tpu.wait_dma2 semaphore(%run_scoped3A_20 : memref<!tpu.dma_semaphore, #tpu.memory_space<semaphore_mem>>) src(%dma_wait3A_38 : memref<5000xi32, #tpu.memory_space<hbm>>) dst(%dma_wait3A_35 : memref<5000xi32, #tpu.memory_space<vmem>>)
      tpu.yield
    }) : () -> ()
    %broadcast_in_dim3A_9 = arith.constant 1.000000e+00 : f32
    %broadcast_in_dim3A_10 = vector.broadcast %broadcast_in_dim3A_9 : f32 to vector<16xf32>
    %scan3A_11 = arith.constant 0 : i32
    %scan3A_12 = arith.constant 312 : i32
    %scan3A_13 = arith.addi %scan3A_11, %scan3A_12 : i32
    %scan3A_14 = arith.constant 1 : i32
    scf.for %scan3A_20 = %scan3A_11 to %scan3A_13 step %scan3A_14  : i32 {
      %mul3A_21 = arith.constant 1 : i32
      %mul3A_22 = arith.muli %scan3A_20, %mul3A_21 : i32
      %add3A_23 = arith.constant 0 : i32
      %add3A_24 = arith.addi %add3A_23, %mul3A_22 : i32
      %mul3A_25 = arith.constant 16 : i32
      %mul3A_26 = arith.muli %add3A_24, %mul3A_25 : i32
      %get3A_27 = arith.index_cast %mul3A_26 : i32 to index
      %get3A_28 = tpu.vector_load %arg4[%get3A_27] {strides = array<i32>} : memref<5008xi32, #tpu.memory_space<vmem>>, vector<16xi32>,
      tpu.vector_store_idx %arg5[%get3A_28], %broadcast_in_dim3A_10 {add = true} : memref<10000xf32, #tpu.memory_space<vmem>>[vector<16xi32>], vector<16xf32>,
    }
    %scan3A_15 = arith.constant 312 : i32
    %get3A = arith.constant 4992 : index
    %get3A_16 = tpu.vector_load %arg4[%get3A] {strides = array<i32>} : memref<5008xi32, #tpu.memory_space<vmem>>, vector<16xi32>,
    %iota3A = tpu.iota {dimensions = array<i32: 0>} : vector<16xi32>
    %lt3A = arith.constant 8 : i32
    %lt3A_17 = vector.broadcast %lt3A : i32 to vector<16xi32>
    %lt3A_18 = arith.cmpi slt, %iota3A, %lt3A_17 : vector<16xi32>
    tpu.vector_store_idx %arg5[%get3A_16], %broadcast_in_dim3A_10 masked %lt3A_18 {add = true} : memref<10000xf32, #tpu.memory_space<vmem>>[vector<16xi32>], vector<16xf32>, vector<16xi1>
    %run_scoped3A_19 = arith.constant 0 : i32
    "tpu.region"() ({
      %run_scoped3A_20 = tpu.sem_alloc : memref<!tpu.dma_semaphore, #tpu.memory_space<semaphore_mem>>
      %dma_start3A = arith.constant 0 : i32
      %dma_start3A_21 = tpu.memref_slice %arg3[%add3A, %run_scoped3A_19, %dma_start3A] : memref<32x1x10000xf32, #tpu.memory_space<hbm>> -> memref<1x1x10000xf32, #tpu.memory_space<hbm>>
      %dma_start3A_22 = tpu.memref_squeeze %dma_start3A_21 : memref<1x1x10000xf32, #tpu.memory_space<hbm>> -> memref<10000xf32, #tpu.memory_space<hbm>>
      %dma_start3A_23 = arith.constant 0 : i32
      %dma_start3A_24 = tpu.memref_slice %arg3[%add3A, %run_scoped3A_19, %dma_start3A_23] : memref<32x1x10000xf32, #tpu.memory_space<hbm>> -> memref<1x1x10000xf32, #tpu.memory_space<hbm>>
      %dma_start3A_25 = tpu.memref_squeeze %dma_start3A_24 : memref<1x1x10000xf32, #tpu.memory_space<hbm>> -> memref<10000xf32, #tpu.memory_space<hbm>>
      tpu.enqueue_dma source(%arg5 : memref<10000xf32, #tpu.memory_space<vmem>>) target(%dma_start3A_25 : memref<10000xf32, #tpu.memory_space<hbm>>) target_semaphore(%run_scoped3A_20 : memref<!tpu.dma_semaphore, #tpu.memory_space<semaphore_mem>>)
      %dma_wait3A = arith.constant 0 : i32
      %dma_wait3A_26 = tpu.memref_slice %arg3[%add3A, %run_scoped3A_19, %dma_wait3A] : memref<32x1x10000xf32, #tpu.memory_space<hbm>> -> memref<1x1x10000xf32, #tpu.memory_space<hbm>>
      %dma_wait3A_27 = tpu.memref_squeeze %dma_wait3A_26 : memref<1x1x10000xf32, #tpu.memory_space<hbm>> -> memref<10000xf32, #tpu.memory_space<hbm>>
      %dma_wait3A_28 = arith.constant 0 : i32
      %dma_wait3A_29 = tpu.memref_slice %arg3[%add3A, %run_scoped3A_19, %dma_wait3A_28] : memref<32x1x10000xf32, #tpu.memory_space<hbm>> -> memref<1x1x10000xf32, #tpu.memory_space<hbm>>
      %dma_wait3A_30 = tpu.memref_squeeze %dma_wait3A_29 : memref<1x1x10000xf32, #tpu.memory_space<hbm>> -> memref<10000xf32, #tpu.memory_space<hbm>>
      tpu.wait_dma2 semaphore(%run_scoped3A_20 : memref<!tpu.dma_semaphore, #tpu.memory_space<semaphore_mem>>) src(%arg5 : memref<10000xf32, #tpu.memory_space<vmem>>) dst(%dma_wait3A_30 : memref<10000xf32, #tpu.memory_space<hbm>>)
      tpu.yield
    }) : () -> ()
    return
  }
}

</mosaic_0001>

<sc_bundles>
// kernel: _deg_call.3.cloned.1.call-start
scs
__scs_entry_jumppad:
0x0: {  	(pc) =	sbr.rel $0x88, $3  }
0x1: {  	(tag) =	ssettag $0x0;
	lr =	simm.s32 $0x1  }
0x2: {  	[smem:$0x3FA0] =	sst lr;
	_ =	strace $0xD0000000  }
0x3: {  	_ = 	snop  }
0x4: {  	_ = 	snop  }
0x5: {  	_ = 	snop  }
0x6: {  	_ = 	snop  }
0x7: {  	_ = 	snop  }
__scs_overlays_trampoline_lowered:
0x8: {  	[smem:$0x3FAF] =	sst s0  }
0x9: {  	[smem:$0x3FB0] =	sst s1  }
0xa: {  	[smem:$0x3FB1] =	sst s2  }
0xb: {  	[smem:$0x3FB2] =	sst s3  }
0xc: {  	[smem:$0x3FB3] =	sst s4  }
0xd: {  	[smem:$0x3FB4] =	sst s5  }
0xe: {  	[smem:$0x3FB5] =	sst s6  }
0xf: {  	[smem:$0x3FB6] =	sst s7  }
0x10: {  	[smem:$0x3FB7] =	sst s8  }
0x11: {  	[smem:$0x3FB8] =	sst s9;
	s0 =	simm.s32 @!p0 $0x0  }
0x12: {  	s1 =	sld [smem:$0x3F9E];
	s0 =	simm.s32 @p0 $0x1  }
0x13: {  	[smem:$0x3FB9] =	sst s0;
	s0 =	simm.s32 @!p1 $0x0  }
0x14: {  	s2 =	sld [smem:$0x3F9D];
	s0 =	simm.s32 @p1 $0x1  }
0x15: {  	[smem:$0x3FBA] =	sst s0;
	s0 =	simm.s32 @!p2 $0x0  }
0x16: {  	s3 =	sld [smem:$0x3FDB];
	s0 =	simm.s32 @p2 $0x1  }
0x17: {  	s4 =	simm.s32 $0x1BF5;
	[smem:$0x3FBC] =	sst s0  }
0x18: {  	s0 =	sld [smem:$0x3F9F];
	_ =	swait.ge [sflag:s4], $0x0  }
0x19: {  	s7 =	sld [smem:$0x3FA0]  }
0x1a: {  	s8 =	sadd.s32 $0xFFFFE003, lr  }
0x1b: {  	s9 =	sadd.s32 $0xFFFFFEF7, lr;
	s5 =	simm.s32 $0xFFFFFFFF;
	p2 =	slt.u32 s8, $0xFFFFF086  }
0x1c: {  	p1 =	slt.u32 s9, $0xF7A;
	s5 =	simm.s32 @!p2 $0x0  }
0x1d: {  	s5 =	simm.s32 @p1 $0x1;
	p0 =	seq.s32 s7, s2  }
0x1e: {  	s7 =	smul.u32 @!p0 $0xF7A, s2;
	p2 =	seq.s32 @!p0 s5, $0x0  }
0x1f: {  	s9 =	smul.u32 $0xF7A, s1;
	s8 =	simm.s32 @!p0 $0x1BF5;
	p2 =	por !p2, p0  }
0x20: {  	[sflag:s8] =	ssyncset.s32 @!p0 $0xFFFFF086;
	s6 =	sadd.s32 @!p0 s3, s7;
	s7 =	simm.s32 @!p0 $0x108  }
0x21: {  	s3 =	sadd.s32 s3, s9;
	s6 =	sadd.s32 @!p0 $0x88, s6;
	s7 =	simm.s32 @p2 $0x1082  }
0x22: {  	[simem:s7], [sflag:s8] =	dma.local @!p0 [hbm:s6], $0xF7A  }
0x23: {  	s9 =	sor.u32 $0xD0000000, s2;
	s6 =	simm.s32 $0x108;
	_ =	swait.ge @!p0 [sflag:s8], $0x0  }
0x24: {  	s3 =	sadd.s32 $0x88, s3;
	s6 =	simm.s32 @!p1 $0x1082;
	[sflag:s4] =	ssyncset.s32 $0xFFFFF086  }
0x25: {  	[simem:s6], [sflag:s4] =	dma.local [hbm:s3], $0xF7A  }
0x26: {  	[smem:$0x3FA0] =	sst s1;
	(tag) =	ssettag s2;
	_ =	strace s9  }
0x27: {  	s1 =	sld [smem:$0x3FB0]  }
0x28: {  	s2 =	sld [smem:$0x3FB1]  }
0x29: {  	s4 =	sld [smem:$0x3FB3]  }
0x2a: {  	p0 =	seq.s32 s5, $0x0;
	s5 =	sld [smem:$0x3FB4]  }
0x2b: {  	s6 =	sld [smem:$0x3FB5]  }
0x2c: {  	s7 =	sld [smem:$0x3FB6]  }
0x2d: {  	s3 =	simm.s32 $0x108;
	s8 =	sld [smem:$0x3FB7]  }
0x2e: {  	s3 =	simm.s32 @!p0 $0x1082;
	s9 =	sld [smem:$0x3FB8]  }
0x2f: {  	lr =	sadd.s32 s0, s3;
	s0 =	sld [smem:$0x3FAF]  }
0x30: {  	s3 =	sld [smem:$0x3FB2]  }
0x31: {  	[smem:$0x3FBB] =	sst s10  }
0x32: {  	s10 =	sld [smem:$0x3FB9];
	_ =	sdelay $0x3  }
0x33: {  	p0 =	seq.s32 s10, $0x1;
	s10 =	sld [smem:$0x3FBB];
	_ =	sdelay $0x3  }
0x34: {  	[smem:$0x3FBB] =	sst s10  }
0x35: {  	s10 =	sld [smem:$0x3FBA];
	_ =	sdelay $0x3  }
0x36: {  	p1 =	seq.s32 s10, $0x1;
	s10 =	sld [smem:$0x3FBB];
	_ =	sdelay $0x3  }
0x37: {  	[smem:$0x3FBB] =	sst s10  }
0x38: {  	s10 =	sld [smem:$0x3FBC]  }
0x39: {  	_ = 	snop;
	(pc) =	sbr.ind lr, $3  }
0x3a: {  	_ = 	snop  }
0x3b: {  	_ = 	snop  }
0x3c: {  	p2 =	seq.s32 s10, $0x1;
	s10 =	sld [smem:$0x3FBB]  }
0x3d: {  	_ =	shalt  }
0x3e: {  	_ =	shalt  }
0x3f: {  	_ =	shalt  }
0x40: {  	_ =	shalt  }
0x41: {  	_ =	shalt  }
0x42: {  	_ =	shalt  }
0x43: {  	_ =	shalt  }
0x44: {  	_ =	shalt  }
0x45: {  	_ =	shalt  }
0x46: {  	_ =	shalt  }
0x47: {  	_ =	shalt  }
0x48: {  	_ =	shalt  }
0x49: {  	_ =	shalt  }
0x4a: {  	_ =	shalt  }
0x4b: {  	_ =	shalt  }
0x4c: {  	_ =	shalt  }
0x4d: {  	_ =	shalt  }
0x4e: {  	_ =	shalt  }
0x4f: {  	_ =	shalt  }
0x50: {  	_ =	shalt  }
0x51: {  	_ =	shalt  }
0x52: {  	_ =	shalt  }
0x53: {  	_ =	shalt  }
0x54: {  	_ =	shalt  }
0x55: {  	_ =	shalt  }
0x56: {  	_ =	shalt  }
0x57: {  	_ =	shalt  }
0x58: {  	_ =	shalt  }
0x59: {  	_ =	shalt  }
0x5a: {  	_ =	shalt  }
0x5b: {  	_ =	shalt  }
0x5c: {  	_ =	shalt  }
0x5d: {  	_ =	shalt  }
0x5e: {  	_ =	shalt  }
0x5f: {  	_ =	shalt  }
0x60: {  	_ =	shalt  }
0x61: {  	_ =	shalt  }
0x62: {  	_ =	shalt  }
0x63: {  	_ =	shalt  }
0x64: {  	_ =	shalt  }
0x65: {  	_ =	shalt  }
0x66: {  	_ =	shalt  }
0x67: {  	_ =	shalt  }
0x68: {  	_ =	shalt  }
0x69: {  	_ =	shalt  }
0x6a: {  	_ =	shalt  }
0x6b: {  	_ =	shalt  }
0x6c: {  	_ =	shalt  }
0x6d: {  	_ =	shalt  }
0x6e: {  	_ =	shalt  }
0x6f: {  	_ =	shalt  }
0x70: {  	_ =	shalt  }
0x71: {  	_ =	shalt  }
0x72: {  	_ =	shalt  }
0x73: {  	_ =	shalt  }
0x74: {  	_ =	shalt  }
0x75: {  	_ =	shalt  }
0x76: {  	_ =	shalt  }
0x77: {  	_ =	shalt  }
0x78: {  	_ =	shalt  }
0x79: {  	_ =	shalt  }
0x7a: {  	_ =	shalt  }
0x7b: {  	_ =	shalt  }
0x7c: {  	_ =	shalt  }
0x7d: {  	_ =	shalt  }
0x7e: {  	_ =	shalt  }
0x7f: {  	_ =	shalt  }
0x80: {  	_ =	shalt  }
0x81: {  	_ =	shalt  }
0x82: {  	_ =	shalt  }
0x83: {  	_ =	shalt  }
0x84: {  	_ =	shalt  }
0x85: {  	_ =	shalt  }
0x86: {  	_ =	shalt  }
0x87: {  	_ =	shalt  }
.Lfunc_end0:
.L_simem_size_0:
called_computation_lowered:
.L_overlay_start_0:
0x88: {  	s2 =	sld [smem:$0x3FD9]  }
0x89: {  	s3 =	sld [smem:$0x3FFE];
	_ =	sdelay $0x1  }
0x8a: {  	s1 =	srdreg.scid  }
0x8b: {  	s0 =	sand.u32 $0x1, s1  }
0x8c: {  	s17 =	sshll.u32 s0, $0xA;
	s2 =	sadd.s32 s3, s2  }
0x8d: {  	s2 =	sadd.s32 s2, s17  }
0x8e: {  	[smem:$0x3FC7] =	sst s2  }
0x8f: {  	_ = 	snop  }
0x90: {  	s2 =	sld [smem:$0x3FD0];
	(tm) =	ssettm $0x1  }
0x91: {  	s18 =	sld [smem:$0x3FFB];
	_ =	sdelay $0x3  }
0x92: {  	_ =	strace s18  }
0x93: {  	s3 =	sld [smem:$0x3FFC];
	_ =	sdelay $0x3  }
0x94: {  	_ =	strace s3  }
0x95: {  	s3 =	sld [smem:$0x3FFD];
	_ =	sdelay $0x3  }
0x96: {  	_ =	strace s3  }
0x97: {  	_ =	strace $0x8FFFFFFF  }
0x98: {  	s19 =	sld [smem:$0x3FDB];
	_ =	sdelay $0x1  }
0x99: {  	s4 =	simm.s32 $_scs_section_size  }
0x9a: {  	s5 =	simm.s32 $_size__tile_overlayer_lowered;
	s6 =	simm.s32 $_tile_overlayer_lowered  }
0x9b: {  	s22 =	simm.s32 $0x1BFF;
	s21 =	sshll.u32 s6, $0x1;
	s3 =	sadd.s32 s4, s19  }
0x9c: {  	s7 =	simm.s32 $0x0;
	s20 =	sshll.u32 s5, $0x1;
	s5 =	sadd.s32 s21, s3  }
0x9d: {  	[timem:s7], [sflag:s22] =	dma.local [hbm:s5], s20  }
0x9e: {  	_ =	swait.ge [sflag:s22], s20  }
0x9f: {  	s4 =	ssub.s32 $0x0, s20;
	[sflag:s22] =	ssyncset.done $0x0  }
0xa0: {  	[sflag:s22] =	ssyncadd.s32 s4;
	_ =	sdelay $0x1  }
0xa1: {  	s23 =	simm.s32 $0x1B8B  }
0xa2: {  	_ =	swait.ge [sflag:s23], $0x1  }
0xa3: {  	[sflag:s23] =	ssyncset.done $0x0  }
0xa4: {  	s25 =	simm.s32 $0x1B8E;
	s24 =	sld [smem:$0x3FFE];
	[sflag:s23] =	ssyncadd.s32 $0xFFFFFFFF  }
0xa5: {  	s26 =	simm.s32 $execute0_lowered;
	[smem:$0x3FD2] =	sst s25  }
0xa6: {  	s5 =	sshll.u32 s26, $0x1;
	_ =	strace $0x80000046;
	[dreg:$0x1] =	wrdreg $0xFFFFFFFF  }
0xa7: {  	s28 =	simm.s32 $_size_execute0_lowered;
	s3 =	sadd.s32 s3, s5;
	[dreg:$0x0] =	wrdreg $0x0  }
0xa8: {  	s5 =	sshll.u32 s28, $0x1;
	[dreg:$0x2] =	wrdreg s3  }
0xa9: {  	[dreg:$0x3] =	wrdreg s5  }
0xaa: {  	[dreg:$0x4] =	wrdreg $0xC0  }
0xab: {  	_ =	task [dreg:s7], $0x5FFFF  }
0xac: {  	[dreg:$0x1] =	wrdreg $0xFFFFFFFF  }
0xad: {  	[dreg:$0x0] =	wrdreg $0x60  }
0xae: {  	[dreg:$0x2] =	wrdreg s2  }
0xaf: {  	[dreg:$0x3] =	wrdreg s24  }
0xb0: {  	[dreg:$0x4] =	wrdreg $0x9  }
0xb1: {  	_ =	task.clear_ibuf [dreg:s7], $0x5FFFF;
	_ =	strace $0x90000046  }
0xb2: {  	s29 =	simm.s32 $0x9;
	_ =	strace $0x80000048  }
0xb3: {  	_ =	swait.ge [sflag:s29], $0x1  }
0xb4: {  	[sflag:s29] =	ssyncadd.s32 $0xFFFFFFFF  }
0xb5: {  	_ =	strace $0x90000048  }
0xb6: {  	_ =	sfence  }
0xb7: {  	s30 =	sld [smem:$0x0];
	_ =	sdelay $0x2  }
0xb8: {  	s31 =	sshll.u32 s1, $0xD;
	s1 =	sshrl.u32 s1, $0x2  }
0xb9: {  	s3 =	sand.u32 $0x4000, s31;
	s1 =	sadd.s32 s1, s30  }
0xba: {  	s0 =	sor.u32 s3, s0;
	s1 =	sshll.u32 s1, $0x11  }
0xbb: {  	s0 =	sor.u32 s1, s0  }
0xbc: {  	s0 =	sadd.s32 $0x8F2B, s0  }
0xbd: {  	[sflag:s0] =	ssyncadd.remote.s32 $0x1  }
0xbe: {  	_ =	sfence.sel $0xFFFF  }
0xbf: {  	[dreg:$0x0] =	wrdreg $0xFFFFFFFF;
	(pc) =	sbr.abs _section_cstart, $3  }
0xc0: {  	[dreg:$0x1] =	wrdreg $0xFFFFFFFF  }
0xc1: {  	_ =	task.clear_ibuf [dreg:s7], $0x2FFFF;
	_ =	strace $0x9FFFFFFF  }
0xc2: {  	(tm) =	ssettm $0x7FFFFFFF  }
0xc3: {  	_ =	shalt  }
tec
execute0_lowered:
.L_overlay_start_1:
0x0: {  	(tag) =	ssettag $0x1  }
0x1: {  	s1 =	srdreg.scid;
	s0 =	stileid.u32  }
0x2: {  	s3 =	rddreg [dreg:$0x0];
	s5 =	sand.u32 $0x1, s1;
	s2 =	sshll.u32 s0, $0x1  }
0x3: {  	s4 =	rddreg [dreg:$0x1];
	s6 =	sor.u32 s5, s2  }
0x4: {  	s2 =	simm.s32 $0x0;
	s5 =	ssub.s32 $0x2, s5;
	s7 =	smul.u32 $0x271, s6  }
0x5: {  	[smem:$0x7FF] =	sst s2;
	s8 =	sshrl.u32 s5, $0x1;
	s6 =	smul.u32 $0x4E2, s6  }
0x6: {  	s1 =	rddreg [dreg:$0x2];
	_ =	strace $0x80000047;
	s5 =	ssub.s32 s5, s8  }
0x7: {  	s8 =	simm.s32 $0x0;
	s3 =	sadd.s32 s3, s7;
	s4 =	sadd.s32 s4, s6  }
0x8: {  	v0 =	vimm.f32 $0.0e+00;
	v1 =	vimm.s32 $0x0;
	v2 =	vimm.f32 $1.000000000e+00;
	s5 =	smax.u32 s5, $0x1;
	s6 =	simm.s32 $0x1;
	s7 =	simm.s32 $0x1390  }
.LBB2_1:
0x9: {  	s9 =	simm.s32 $0x40;
	s10 =	simm.s32 $0x0  }
.LBB2_2:
0xa: {  	p0 =	sne.s32 s9, $0x9C00;
	[tilespmem:s10+$0x1390] =	vst v0;
	s10 =	smov.u32 s9;
	s9 =	sadd.s32 $0x40, s9  }
.Ltmp0:
0xb: {  	(pc) =	sbr.rel @p0 .LBB2_2-.Ltmp0, $2  }
0xc: {  	_ =	sdelay $0x2  }
0xd: {  	s10 =	sshra.s32 s10, $0x2  }
0xe: {  	[tilespmem:s10+$0x1390] =	vst v0  }
0xf: {  	s9 =	simm.s32 $0x0;
	[tilespmem:$0x1380] =	vst v1  }
0x10: {  	[tilespmem:s9], [sflag:$0x1] =	stream.linear.gather [hbm4b:s3+s9], $0x1388, $0x38;
	[tilespmem:$0x3AA0] =	vst v63  }
0x11: {  	_ =	swait.ge [sflag:s6], $0x1388  }
0x12: {  	[sflag:s6] =	ssyncset.done $0x0  }
0x13: {  	s10 =	simm.s32 $0x0;
	s9 =	simm.s32 $0x40;
	[sflag:s6] =	ssyncadd.s32 $0xFFFFEC78  }
.LBB2_4:
0x14: {  	p0 =	sne.s32 s9, $0x4DC0;
	v3 =	vld [tilespmem:s10+$0x0];
	_ =	sdelay $0x3  }
.Ltmp1:
0x15: {  	(pc) =	sbr.rel @p0 .LBB2_4-.Ltmp1, $2  }
0x16: {  	_ =	sdelay $0x2  }
0x17: {  	s10 =	sshra.s32 s9, $0x2;
	s9 =	sadd.s32 $0x40, s9;
	[tilespmem:v3+s7+$0x0] =	vst.idx.add.f32.msk $0xffff, v2  }
0x18: {  	v3 =	vld [tilespmem:s10+$0x0];
	_ =	sdelay $0x7  }
0x19: {  	[tilespmem:v3+s7+$0x0] =	vst.idx.add.f32.msk $0xffff, v2  }
0x1a: {  	v3 =	vld [tilespmem:$0x1380];
	_ =	sdelay $0x5  }
0x1b: {  	s8 =	sadd.s32 $0x1, s8  }
0x1c: {  	p0 =	sne.s32 s8, s5  }
.Ltmp2:
0x1d: {  	[tilespmem:v3+s7+$0x0] =	vst.idx.add.f32.msk $0xff, v2;
	(pc) =	sbr.rel @p0 .LBB2_1-.Ltmp2, $4  }
0x1e: {  	[hbm4b:s4+s2] =	stream.linear.scatter [tilespmem:s7], [sflag:$0x1], $0x2710, $0x38;
	[tilespmem:$0x3AA0] =	vst v63  }
0x1f: {  	_ =	swait.ge [sflag:s6], $0x2710  }
0x20: {  	[sflag:s6] =	ssyncset.done $0x0  }
0x21: {  	[sflag:s6] =	ssyncadd.s32 $0xFFFFD8F0  }
0x22: {  	_ =	sfence.sel $0x180000  }
0x23: {  	[bflag:$0x0] =	sbarrier.arrive $0xFFFF  }
0x24: {  	p0 =	sne.s32 s0, $0x0;
	_ =	strace $0x90000047  }
0x25: {  	s0 =	sadd.s32 @!p0 $0x100000, s1;
	[bflag:$0x2] =	sbarrier.arrive $0xFFFF  }
0x26: {  	[sflag:s0] =	ssyncadd.tile.s32 @!p0 $0x1;
	_ =	shalt  }
.Lfunc_end2:
_tile_overlayer_lowered:
.L_overlay_start_2:
0x27: {  	(tag) =	ssettag $0x2  }
0x28: {  	s0 =	rddreg [dreg:$0x0];
	s2 =	stileid.u32  }
0x29: {  	s1 =	rddreg [dreg:$0x1];
	p0 =	sne.s32 s2, $0x0  }
0x2a: {  	s3 =	rddreg [dreg:$0x2];
	[bflag:$0x3] =	sbarrier.arrive $0xFFFF;
	s2 =	simm.s32 @!p0 $0x1C01  }
0x2b: {  	[timem:s3], [sflag:s2] =	dma.local @!p0 [hbm:s0], s1  }
0x2c: {  	s0 =	simm.s32 @!p0 $0x1  }
0x2d: {  	_ =	swait.ge @!p0 [sflag:s0], s1  }
0x2e: {  	s1 =	ssub.s32 @!p0 $0x0, s1;
	[sflag:s0] =	ssyncset.done @!p0 $0x0  }
0x2f: {  	[sflag:s0] =	ssyncadd.s32 @!p0 s1  }
0x30: {  	[bflag:$0x3] =	sbarrier.arrive $0xFFFF  }
0x31: {  	_ =	shalt  }

</sc_bundles>
